<compile_context>
chip_gen: v7x
topology: tpu7x:2x2x1
jax: 0.10.2.dev20260603
libtpu: 0.0.44.dev20260713+nightly
codegen_flags: <defaults>
</compile_context>

<pallas_src>
import jax
import jax.numpy as jnp
from jax.experimental import pallas as pl
from jax.experimental.pallas import tpu as pltpu

_ALPHA = 0.15
_K = 10
_SCALE = 0.2
_BLK = 1024
_PBLK = 256


def _prep_body(ci_ref, cu_ref, deg_ref):
    j = pl.program_id(0)
    c = ci_ref[...]
    cb = c.astype(jnp.bfloat16)
    cu_ref[...] = c.astype(jnp.uint8)

    @pl.when(j == 0)
    def _init():
        deg_ref[...] = jnp.zeros_like(deg_ref)

    ones = jnp.ones((1, _PBLK), jnp.bfloat16)
    deg_ref[...] += jnp.dot(ones, cb, preferred_element_type=jnp.float32)


def _diff_body(cnt_ref, x_ref, sc_ref, awt_ref, ab_ref, p_ref, w1_ref, b1_ref,
               w2_ref, b2_ref, out_ref, hs_ref):
    k = pl.program_id(0)
    j = pl.program_id(1)
    nsteps = pl.num_programs(0)
    row0 = pl.multiple_of(j * _BLK, _BLK)

    @pl.when(jnp.logical_and(k == 0, j == 0))
    def _init():
        hs_ref[0] = (x_ref[...] * sc_ref[...]).astype(jnp.bfloat16)

    par = jax.lax.rem(k, 2)
    cnt = cnt_ref[...].astype(jnp.bfloat16)
    hs = hs_ref[par]
    acc = jnp.dot(cnt, hs, preferred_element_type=jnp.float32)
    xb = x_ref[pl.ds(row0, _BLK), :]
    hnew = acc + _ALPHA * xb

    @pl.when(k < nsteps - 1)
    def _store():
        scb = sc_ref[pl.ds(row0, _BLK), :]
        hs_ref[1 - par, pl.ds(row0, _BLK), :] = (hnew * scb).astype(jnp.bfloat16)

    @pl.when(k == nsteps - 1)
    def _tail():
        xp = xb + _SCALE * hnew
        score = jnp.dot(xp, awt_ref[...], preferred_element_type=jnp.float32)
        score = score + ab_ref[...]
        mx = jnp.max(score, axis=-1, keepdims=True)
        e = jnp.exp(score - mx)
        w = e / jnp.sum(e, axis=-1, keepdims=True)
        h = xp + jnp.dot(w, p_ref[...], preferred_element_type=jnp.float32)
        z1 = jnp.dot(h, w1_ref[...], preferred_element_type=jnp.float32)
        z1 = jnp.maximum(z1 + b1_ref[...], 0.0)
        z2 = jnp.dot(z1, w2_ref[...], preferred_element_type=jnp.float32)
        z2 = z2 + b2_ref[...]
        nrm = jnp.sqrt(jnp.sum(z2 * z2, axis=-1, keepdims=True))
        z2 = z2 / jnp.maximum(nrm, 1e-12)
        out_ref[pl.ds(row0, _BLK), :] = z2


def kernel(x, edge_index, a_w, a_b, p_list, W1, b1, W2, b2):
    n, d = x.shape
    p = a_w.shape[0]
    proj = W2.shape[1]
    np_ = ((n + _BLK - 1) // _BLK) * _BLK
    nb = np_ // _BLK

    src = edge_index[0]
    dst = edge_index[1]
    flat = jnp.sort(dst * np_ + src)
    cnt_i = jnp.zeros((np_ * np_,), jnp.int32).at[flat].add(
        1, indices_are_sorted=True).reshape(np_, np_)
    x_p = jnp.pad(x, ((0, np_ - n), (0, 0)))

    cnt_u8, deg = pl.pallas_call(
        _prep_body,
        grid=(np_ // _PBLK,),
        in_specs=[pl.BlockSpec((_PBLK, np_), lambda j: (j, 0))],
        out_specs=[pl.BlockSpec((_PBLK, np_), lambda j: (j, 0)),
                   pl.BlockSpec((1, np_), lambda j: (0, 0))],
        out_shape=[jax.ShapeDtypeStruct((np_, np_), jnp.uint8),
                   jax.ShapeDtypeStruct((1, np_), jnp.float32)],
        compiler_params=pltpu.CompilerParams(
            dimension_semantics=("arbitrary",),
        ),
    )(cnt_i)

    scale_col = ((1.0 - _ALPHA) / jnp.maximum(deg, 1.0)).reshape(np_)[:, None]

    out = pl.pallas_call(
        _diff_body,
        grid=(_K, nb),
        in_specs=[
            pl.BlockSpec((_BLK, np_), lambda k, j: (j, 0)),
            pl.BlockSpec((np_, d), lambda k, j: (0, 0)),
            pl.BlockSpec((np_, 1), lambda k, j: (0, 0)),
            pl.BlockSpec((d, p), lambda k, j: (0, 0)),
            pl.BlockSpec((1, p), lambda k, j: (0, 0)),
            pl.BlockSpec((p, d), lambda k, j: (0, 0)),
            pl.BlockSpec((d, d), lambda k, j: (0, 0)),
            pl.BlockSpec((1, d), lambda k, j: (0, 0)),
            pl.BlockSpec((d, proj), lambda k, j: (0, 0)),
            pl.BlockSpec((1, proj), lambda k, j: (0, 0)),
        ],
        out_specs=pl.BlockSpec((np_, proj), lambda k, j: (0, 0)),
        out_shape=jax.ShapeDtypeStruct((np_, proj), jnp.float32),
        scratch_shapes=[pltpu.VMEM((2, np_, d), jnp.bfloat16)],
        compiler_params=pltpu.CompilerParams(
            dimension_semantics=("arbitrary", "arbitrary"),
        ),
    )(cnt_u8, x_p, scale_col, a_w.T, a_b.reshape(1, p), p_list, W1,
      b1.reshape(1, d), W2, b2.reshape(1, proj))
    return out[:n]

# --- scband reference (transcript-rebuilt; emitter-appended) ---
"""Pipeline reference for scband-net-85985245266022 (READ-ONLY COPY).

The authoritative reference and input builder live on the scoring server;
editing this copy changes nothing except your own understanding.
"""

import jax, jax.numpy as jnp
import numpy as np

N = 10000
E = 320000
D = 128
P = 8
PROJ = 128
ALPHA = 0.15
K = 10
SCALE = 0.2


def setup_inputs(seed: int = 0) -> dict:
    key = jax.random.key(seed)
    ks = jax.random.split(key, 8)
    x = jax.random.normal(ks[0], (N, D), dtype=jnp.float32)
    edge_index = jax.random.randint(ks[1], (2, E), 0, N, dtype=jnp.int32)
    g = 1.0 / np.sqrt(D)
    a_w = jax.random.normal(ks[2], (P, D), dtype=jnp.float32) * g
    a_b = jnp.zeros((P,), dtype=jnp.float32)
    p_list = jax.random.normal(ks[3], (P, D), dtype=jnp.float32) * g
    W1 = jax.random.normal(ks[4], (D, D), dtype=jnp.float32) * g
    b1 = jnp.zeros((D,), dtype=jnp.float32)
    W2 = jax.random.normal(ks[5], (D, PROJ), dtype=jnp.float32) * g
    b2 = jnp.zeros((PROJ,), dtype=jnp.float32)
    return {"x": x, "edge_index": edge_index, "a_w": a_w, "a_b": a_b,
            "p_list": p_list, "W1": W1, "b1": b1, "W2": W2, "b2": b2}


def _rw_propagate(H, src, dst, inv_deg):
    # fn.copy_u('_h','m') + fn.sum('m','_hout') with src-degree normalization
    m = (H * inv_deg)[src]
    return jax.ops.segment_sum(m, dst, num_segments=N)


def _ppr_diffuse(x, src, dst):
    deg = jax.ops.segment_sum(jnp.ones((E,), jnp.float32), src, num_segments=N)
    deg = jnp.clip(deg, 1.0, None)
    inv_deg = (1.0 / deg)[:, None]
    H0 = x
    H = x
    for _ in range(K):
        H_prop = _rw_propagate(H, src, dst, inv_deg)
        H = (1.0 - ALPHA) * H_prop + ALPHA * H0
    return H


def reference(x, edge_index, a_w, a_b, p_list, W1, b1, W2, b2):
    src = edge_index[0]
    dst = edge_index[1]
    # _get_ppr_cached / _build_prompt_input (computed under no_grad in torch)
    x_ppr = jax.lax.stop_gradient(_ppr_diffuse(x, src, dst))
    xp = x + SCALE * x_ppr
    # GPFplusAtt.add
    score = xp @ a_w.T + a_b
    w = jax.nn.softmax(score, axis=1)
    h = xp + w @ p_list
    # LocalContrastiveAdapter
    z = jax.nn.relu(h @ W1 + b1) @ W2 + b2
    nrm = jnp.clip(jnp.linalg.norm(z, axis=-1, keepdims=True), 1e-12, None)
    z = z / nrm
    return z

if __name__ == "__main__":
    import jax
    _d = setup_inputs()
    print(jax.jit(kernel)(*tuple(_d.values())))

</pallas_src>

<mosaic_0001>
module attributes {stable_mosaic.version = 14 : i64} {
  func.func @_prep_body(%arg0: i32, %arg1: memref<256x10240xi32, #tpu.memory_space<vmem>>, %arg2: memref<256x10240xi8, #tpu.memory_space<vmem>>, %arg3: memref<1x10240xf32, #tpu.memory_space<vmem>>) attributes {dimension_semantics = [#tpu.dimension_semantics<arbitrary>], iteration_bounds = array<i64: 40>, scalar_prefetch = 0 : i64, scratch_operands = 0 : i64, tpu.core_type = #tpu.core_type<tc>, window_params = [{transform_indices = @transform_0, window_bounds = array<i64: 256, 10240>}, {transform_indices = @transform_1, window_bounds = array<i64: 256, 10240>}, {pipeline_mode = #tpu.pipeline_mode<synchronous>, transform_indices = @transform_2, window_bounds = array<i64: 1, 10240>}]} {
    %get3A = arith.constant 0 : index
    %get3A_0 = arith.constant 0 : index
    %get3A_1 = vector.load %arg1[%get3A, %get3A_0] : memref<256x10240xi32, #tpu.memory_space<vmem>>, vector<256x10240xi32>
    %convert_element_type3A = arith.sitofp %get3A_1 : vector<256x10240xi32> to vector<256x10240xbf16>
    %convert_element_type3A_2 = arith.trunci %get3A_1 : vector<256x10240xi32> to vector<256x10240xi8>
    %swap3A = arith.constant 0 : index
    %swap3A_3 = arith.constant 0 : index
    %swap3A_4 = vector.load %arg2[%swap3A, %swap3A_3] : memref<256x10240xi8, #tpu.memory_space<vmem>>, vector<256x10240xi8>
    tpu.vector_store %arg2[%swap3A, %swap3A_3], %convert_element_type3A_2 {strides = array<i32>} : memref<256x10240xi8, #tpu.memory_space<vmem>>, vector<256x10240xi8>,
    %eq3A = arith.constant 0 : i32
    %eq3A_5 = arith.cmpi eq, %arg0, %eq3A : i32
    %convert_element_type3A_6 = arith.extui %eq3A_5 : i1 to i32
    %cond3A = arith.constant 0 : i32
    %cond3A_7 = arith.cmpi ne, %convert_element_type3A_6, %cond3A : i32
    scf.if %cond3A_7 {
      %broadcast_in_dim3A_16 = arith.constant 0.000000e+00 : f32
      %broadcast_in_dim3A_17 = vector.broadcast %broadcast_in_dim3A_16 : f32 to vector<1x10240xf32>
      %swap3A_18 = arith.constant 0 : index
      %swap3A_19 = arith.constant 0 : index
      %swap3A_20 = vector.load %arg3[%swap3A_18, %swap3A_19] : memref<1x10240xf32, #tpu.memory_space<vmem>>, vector<1x10240xf32>
      tpu.vector_store %arg3[%swap3A_18, %swap3A_19], %broadcast_in_dim3A_17 {strides = array<i32>} : memref<1x10240xf32, #tpu.memory_space<vmem>>, vector<1x10240xf32>,
    } else {
    }
    %broadcast_in_dim3A = arith.constant 1.000000e+00 : bf16
    %broadcast_in_dim3A_8 = vector.broadcast %broadcast_in_dim3A : bf16 to vector<1x256xbf16>
    %get3A_9 = arith.constant 0 : index
    %get3A_10 = arith.constant 0 : index
    %get3A_11 = vector.load %arg3[%get3A_9, %get3A_10] : memref<1x10240xf32, #tpu.memory_space<vmem>>, vector<1x10240xf32>
    %dot_general3A = arith.constant dense<0.000000e+00> : vector<1x10240xf32>
    %dot_general3A_12 = tpu.matmul %broadcast_in_dim3A_8, %convert_element_type3A, %dot_general3A {dimension_numbers = #tpu.dot_dimension_numbers<[1], [0], [0], [1], [0, 0, 1, 1], [], []>, transpose_lhs_hint = false} : vector<1x256xbf16>, vector<256x10240xbf16>, vector<1x10240xf32> -> vector<1x10240xf32>
    %add3A = arith.addf %get3A_11, %dot_general3A_12 : vector<1x10240xf32>
    %swap3A_13 = arith.constant 0 : index
    %swap3A_14 = arith.constant 0 : index
    %swap3A_15 = vector.load %arg3[%swap3A_13, %swap3A_14] : memref<1x10240xf32, #tpu.memory_space<vmem>>, vector<1x10240xf32>
    tpu.vector_store %arg3[%swap3A_13, %swap3A_14], %add3A {strides = array<i32>} : memref<1x10240xf32, #tpu.memory_space<vmem>>, vector<1x10240xf32>,
    return
  }
  func.func @transform_0(%arg0: i32) -> (i32, i32) {
    %c0_i32 = arith.constant 0 : i32
    %c0_i32_0 = arith.constant 0 : i32
    return %arg0, %c0_i32 : i32, i32
  }
  func.func @transform_1(%arg0: i32) -> (i32, i32) {
    %c0_i32 = arith.constant 0 : i32
    %c0_i32_0 = arith.constant 0 : i32
    return %arg0, %c0_i32 : i32, i32
  }
  func.func @transform_2(%arg0: i32) -> (i32, i32) {
    %c0_i32 = arith.constant 0 : i32
    %c0_i32_0 = arith.constant 0 : i32
    %c0_i32_1 = arith.constant 0 : i32
    return %c0_i32, %c0_i32_0 : i32, i32
  }
}

module attributes {stable_mosaic.version = 14 : i64} {
  func.func @_diff_body(%arg0: i32, %arg1: i32, %arg2: memref<1024x10240xi8, #tpu.memory_space<vmem>>, %arg3: memref<10240x128xf32, #tpu.memory_space<vmem>>, %arg4: memref<10240x1xf32, #tpu.memory_space<vmem>>, %arg5: memref<128x8xf32, #tpu.memory_space<vmem>>, %arg6: memref<1x8xf32, #tpu.memory_space<vmem>>, %arg7: memref<8x128xf32, #tpu.memory_space<vmem>>, %arg8: memref<128x128xf32, #tpu.memory_space<vmem>>, %arg9: memref<1x128xf32, #tpu.memory_space<vmem>>, %arg10: memref<128x128xf32, #tpu.memory_space<vmem>>, %arg11: memref<1x128xf32, #tpu.memory_space<vmem>>, %arg12: memref<10240x128xf32, #tpu.memory_space<vmem>>, %arg13: memref<2x10240x128xbf16, #tpu.memory_space<vmem>>) attributes {dimension_semantics = [#tpu.dimension_semantics<arbitrary>, #tpu.dimension_semantics<arbitrary>], iteration_bounds = array<i64: 10, 10>, scalar_prefetch = 0 : i64, scratch_operands = 1 : i64, tpu.core_type = #tpu.core_type<tc>, window_params = [{transform_indices = @transform_0, window_bounds = array<i64: 1024, 10240>}, {pipeline_mode = #tpu.pipeline_mode<synchronous>, transform_indices = @transform_1, window_bounds = array<i64: 10240, 128>}, {pipeline_mode = #tpu.pipeline_mode<synchronous>, transform_indices = @transform_2, window_bounds = array<i64: 10240, 1>}, {pipeline_mode = #tpu.pipeline_mode<synchronous>, transform_indices = @transform_3, window_bounds = array<i64: 128, 8>}, {pipeline_mode = #tpu.pipeline_mode<synchronous>, transform_indices = @transform_4, window_bounds = array<i64: 1, 8>}, {pipeline_mode = #tpu.pipeline_mode<synchronous>, transform_indices = @transform_5, window_bounds = array<i64: 8, 128>}, {pipeline_mode = #tpu.pipeline_mode<synchronous>, transform_indices = @transform_6, window_bounds = array<i64: 128, 128>}, {pipeline_mode = #tpu.pipeline_mode<synchronous>, transform_indices = @transform_7, window_bounds = array<i64: 1, 128>}, {pipeline_mode = #tpu.pipeline_mode<synchronous>, transform_indices = @transform_8, window_bounds = array<i64: 128, 128>}, {pipeline_mode = #tpu.pipeline_mode<synchronous>, transform_indices = @transform_9, window_bounds = array<i64: 1, 128>}, {pipeline_mode = #tpu.pipeline_mode<synchronous>, transform_indices = @transform_10, window_bounds = array<i64: 10240, 128>}]} {
    %mul3A = arith.constant 1024 : i32
    %mul3A_0 = arith.muli %arg1, %mul3A : i32
    %multiple_of3A = tpu.assume_multiple %mul3A_0, 1024 : i32
    %eq3A = arith.constant 0 : i32
    %eq3A_1 = arith.cmpi eq, %arg0, %eq3A : i32
    %eq3A_2 = arith.constant 0 : i32
    %eq3A_3 = arith.cmpi eq, %arg1, %eq3A_2 : i32
    %and3A = arith.andi %eq3A_1, %eq3A_3 : i1
    %convert_element_type3A = arith.extui %and3A : i1 to i32
    %cond3A = arith.constant 0 : i32
    %cond3A_4 = arith.cmpi ne, %convert_element_type3A, %cond3A : i32
    scf.if %cond3A_4 {
      %get3A_30 = arith.constant 0 : index
      %get3A_31 = arith.constant 0 : index
      %get3A_32 = vector.load %arg3[%get3A_30, %get3A_31] : memref<10240x128xf32, #tpu.memory_space<vmem>>, vector<10240x128xf32>
      %get3A_33 = arith.constant 0 : index
      %get3A_34 = arith.constant 0 : index
      %get3A_35 = vector.load %arg4[%get3A_33, %get3A_34] : memref<10240x1xf32, #tpu.memory_space<vmem>>, vector<10240x1xf32>
      %mul3A_36 = vector.broadcast %get3A_35 : vector<10240x1xf32> to vector<10240x128xf32>
      %mul3A_37 = arith.mulf %get3A_32, %mul3A_36 : vector<10240x128xf32>
      %convert_element_type3A_38 = arith.truncf %mul3A_37 : vector<10240x128xf32> to vector<10240x128xbf16>
      %swap3A = arith.constant 0 : index
      %swap3A_39 = arith.constant 0 : index
      %swap3A_40 = arith.constant 0 : index
      %swap3A_41 = vector.load %arg13[%swap3A, %swap3A_39, %swap3A_40] : memref<2x10240x128xbf16, #tpu.memory_space<vmem>>, vector<1x10240x128xbf16>
      %swap3A_42 = vector.shape_cast %swap3A_41 : vector<1x10240x128xbf16> to vector<10240x128xbf16>
      %swap3A_43 = vector.shape_cast %convert_element_type3A_38 : vector<10240x128xbf16> to vector<1x10240x128xbf16>
      tpu.vector_store %arg13[%swap3A, %swap3A_39, %swap3A_40], %swap3A_43 {strides = array<i32>} : memref<2x10240x128xbf16, #tpu.memory_space<vmem>>, vector<1x10240x128xbf16>,
    } else {
    }
    %rem3A = arith.constant 2 : i32
    %rem3A_5 = arith.remsi %arg0, %rem3A : i32
    %get3A = arith.constant 0 : index
    %get3A_6 = arith.constant 0 : index
    %get3A_7 = vector.load %arg2[%get3A, %get3A_6] : memref<1024x10240xi8, #tpu.memory_space<vmem>>, vector<1024x10240xi8>
    %convert_element_type3A_8 = arith.uitofp %get3A_7 : vector<1024x10240xi8> to vector<1024x10240xbf16>
    %get3A_9 = arith.index_cast %rem3A_5 : i32 to index
    %get3A_10 = arith.constant 0 : index
    %get3A_11 = arith.constant 0 : index
    %get3A_12 = vector.load %arg13[%get3A_9, %get3A_10, %get3A_11] : memref<2x10240x128xbf16, #tpu.memory_space<vmem>>, vector<1x10240x128xbf16>
    %get3A_13 = vector.shape_cast %get3A_12 : vector<1x10240x128xbf16> to vector<10240x128xbf16>
    %dot_general3A = arith.constant dense<0.000000e+00> : vector<1024x128xf32>
    %dot_general3A_14 = tpu.matmul %convert_element_type3A_8, %get3A_13, %dot_general3A {dimension_numbers = #tpu.dot_dimension_numbers<[1], [0], [0], [1], [0, 0, 1, 1], [], []>, transpose_lhs_hint = false} : vector<1024x10240xbf16>, vector<10240x128xbf16>, vector<1024x128xf32> -> vector<1024x128xf32>
    %get3A_15 = arith.index_cast %multiple_of3A : i32 to index
    %get3A_16 = arith.constant 0 : index
    %get3A_17 = vector.load %arg3[%get3A_15, %get3A_16] : memref<10240x128xf32, #tpu.memory_space<vmem>>, vector<1024x128xf32>
    %mul3A_18 = arith.constant 1.500000e-01 : f32
    %mul3A_19 = vector.broadcast %mul3A_18 : f32 to vector<1024x128xf32>
    %mul3A_20 = arith.mulf %mul3A_19, %get3A_17 : vector<1024x128xf32>
    %add3A = arith.addf %dot_general3A_14, %mul3A_20 : vector<1024x128xf32>
    %lt3A = arith.constant 9 : i32
    %lt3A_21 = arith.cmpi slt, %arg0, %lt3A : i32
    %convert_element_type3A_22 = arith.extui %lt3A_21 : i1 to i32
    %cond3A_23 = arith.constant 0 : i32
    %cond3A_24 = arith.cmpi ne, %convert_element_type3A_22, %cond3A_23 : i32
    scf.if %cond3A_24 {
      %get3A_30 = arith.index_cast %multiple_of3A : i32 to index
      %get3A_31 = arith.constant 0 : index
      %get3A_32 = vector.load %arg4[%get3A_30, %get3A_31] : memref<10240x1xf32, #tpu.memory_space<vmem>>, vector<1024x1xf32>
      %mul3A_33 = vector.broadcast %get3A_32 : vector<1024x1xf32> to vector<1024x128xf32>
      %mul3A_34 = arith.mulf %add3A, %mul3A_33 : vector<1024x128xf32>
      %convert_element_type3A_35 = arith.truncf %mul3A_34 : vector<1024x128xf32> to vector<1024x128xbf16>
      %sub3A = arith.constant 1 : i32
      %sub3A_36 = arith.subi %sub3A, %rem3A_5 : i32
      %swap3A = arith.index_cast %sub3A_36 : i32 to index
      %swap3A_37 = arith.index_cast %multiple_of3A : i32 to index
      %swap3A_38 = arith.constant 0 : index
      %swap3A_39 = vector.load %arg13[%swap3A, %swap3A_37, %swap3A_38] : memref<2x10240x128xbf16, #tpu.memory_space<vmem>>, vector<1x1024x128xbf16>
      %swap3A_40 = vector.shape_cast %swap3A_39 : vector<1x1024x128xbf16> to vector<1024x128xbf16>
      %swap3A_41 = vector.shape_cast %convert_element_type3A_35 : vector<1024x128xbf16> to vector<1x1024x128xbf16>
      tpu.vector_store %arg13[%swap3A, %swap3A_37, %swap3A_38], %swap3A_41 {strides = array<i32>} : memref<2x10240x128xbf16, #tpu.memory_space<vmem>>, vector<1x1024x128xbf16>,
    } else {
    }
    %eq3A_25 = arith.constant 9 : i32
    %eq3A_26 = arith.cmpi eq, %arg0, %eq3A_25 : i32
    %convert_element_type3A_27 = arith.extui %eq3A_26 : i1 to i32
    %cond3A_28 = arith.constant 0 : i32
    %cond3A_29 = arith.cmpi ne, %convert_element_type3A_27, %cond3A_28 : i32
    scf.if %cond3A_29 {
      %mul3A_30 = arith.constant 2.000000e-01 : f32
      %mul3A_31 = vector.broadcast %mul3A_30 : f32 to vector<1024x128xf32>
      %mul3A_32 = arith.mulf %mul3A_31, %add3A : vector<1024x128xf32>
      %add3A_33 = arith.addf %get3A_17, %mul3A_32 : vector<1024x128xf32>
      %get3A_34 = arith.constant 0 : index
      %get3A_35 = arith.constant 0 : index
      %get3A_36 = vector.load %arg5[%get3A_34, %get3A_35] : memref<128x8xf32, #tpu.memory_space<vmem>>, vector<128x8xf32>
      %dot_general3A_37 = arith.constant dense<0.000000e+00> : vector<1024x8xf32>
      %dot_general3A_38 = tpu.matmul %add3A_33, %get3A_36, %dot_general3A_37 {dimension_numbers = #tpu.dot_dimension_numbers<[1], [0], [0], [1], [0, 0, 1, 1], [], []>, transpose_lhs_hint = false} : vector<1024x128xf32>, vector<128x8xf32>, vector<1024x8xf32> -> vector<1024x8xf32>
      %get3A_39 = arith.constant 0 : index
      %get3A_40 = arith.constant 0 : index
      %get3A_41 = vector.load %arg6[%get3A_39, %get3A_40] : memref<1x8xf32, #tpu.memory_space<vmem>>, vector<1x8xf32>
      %add3A_42 = vector.broadcast %get3A_41 : vector<1x8xf32> to vector<1024x8xf32>
      %add3A_43 = arith.addf %dot_general3A_38, %add3A_42 : vector<1024x8xf32>
      %reduce_max3A = arith.constant dense<0xFF800000> : vector<1024xf32>
      %reduce_max3A_44 = vector.multi_reduction <maximumf>, %add3A_43, %reduce_max3A [1] : vector<1024x8xf32> to vector<1024xf32>
      %broadcast_in_dim3A = vector.shape_cast %reduce_max3A_44 : vector<1024xf32> to vector<1024x1xf32>
      %sub3A = vector.broadcast %broadcast_in_dim3A : vector<1024x1xf32> to vector<1024x8xf32>
      %sub3A_45 = arith.subf %add3A_43, %sub3A : vector<1024x8xf32>
      %exp3A = math.exp %sub3A_45 : vector<1024x8xf32>
      %reduce_sum3A = arith.constant dense<0.000000e+00> : vector<1024xf32>
      %reduce_sum3A_46 = vector.multi_reduction <add>, %exp3A, %reduce_sum3A [1] : vector<1024x8xf32> to vector<1024xf32>
      %broadcast_in_dim3A_47 = vector.shape_cast %reduce_sum3A_46 : vector<1024xf32> to vector<1024x1xf32>
      %div3A = vector.broadcast %broadcast_in_dim3A_47 : vector<1024x1xf32> to vector<1024x8xf32>
      %div3A_48 = arith.divf %exp3A, %div3A : vector<1024x8xf32>
      %get3A_49 = arith.constant 0 : index
      %get3A_50 = arith.constant 0 : index
      %get3A_51 = vector.load %arg7[%get3A_49, %get3A_50] : memref<8x128xf32, #tpu.memory_space<vmem>>, vector<8x128xf32>
      %dot_general3A_52 = arith.constant dense<0.000000e+00> : vector<1024x128xf32>
      %dot_general3A_53 = tpu.matmul %div3A_48, %get3A_51, %dot_general3A_52 {dimension_numbers = #tpu.dot_dimension_numbers<[1], [0], [0], [1], [0, 0, 1, 1], [], []>, transpose_lhs_hint = false} : vector<1024x8xf32>, vector<8x128xf32>, vector<1024x128xf32> -> vector<1024x128xf32>
      %add3A_54 = arith.addf %add3A_33, %dot_general3A_53 : vector<1024x128xf32>
      %get3A_55 = arith.constant 0 : index
      %get3A_56 = arith.constant 0 : index
      %get3A_57 = vector.load %arg8[%get3A_55, %get3A_56] : memref<128x128xf32, #tpu.memory_space<vmem>>, vector<128x128xf32>
      %dot_general3A_58 = arith.constant dense<0.000000e+00> : vector<1024x128xf32>
      %dot_general3A_59 = tpu.matmul %add3A_54, %get3A_57, %dot_general3A_58 {dimension_numbers = #tpu.dot_dimension_numbers<[1], [0], [0], [1], [0, 0, 1, 1], [], []>, transpose_lhs_hint = false} : vector<1024x128xf32>, vector<128x128xf32>, vector<1024x128xf32> -> vector<1024x128xf32>
      %get3A_60 = arith.constant 0 : index
      %get3A_61 = arith.constant 0 : index
      %get3A_62 = vector.load %arg9[%get3A_60, %get3A_61] : memref<1x128xf32, #tpu.memory_space<vmem>>, vector<1x128xf32>
      %add3A_63 = vector.broadcast %get3A_62 : vector<1x128xf32> to vector<1024x128xf32>
      %add3A_64 = arith.addf %dot_general3A_59, %add3A_63 : vector<1024x128xf32>
      %max3A = arith.constant 0.000000e+00 : f32
      %max3A_65 = vector.broadcast %max3A : f32 to vector<1024x128xf32>
      %max3A_66 = arith.maximumf %add3A_64, %max3A_65 : vector<1024x128xf32>
      %get3A_67 = arith.constant 0 : index
      %get3A_68 = arith.constant 0 : index
      %get3A_69 = vector.load %arg10[%get3A_67, %get3A_68] : memref<128x128xf32, #tpu.memory_space<vmem>>, vector<128x128xf32>
      %dot_general3A_70 = arith.constant dense<0.000000e+00> : vector<1024x128xf32>
      %dot_general3A_71 = tpu.matmul %max3A_66, %get3A_69, %dot_general3A_70 {dimension_numbers = #tpu.dot_dimension_numbers<[1], [0], [0], [1], [0, 0, 1, 1], [], []>, transpose_lhs_hint = false} : vector<1024x128xf32>, vector<128x128xf32>, vector<1024x128xf32> -> vector<1024x128xf32>
      %get3A_72 = arith.constant 0 : index
      %get3A_73 = arith.constant 0 : index
      %get3A_74 = vector.load %arg11[%get3A_72, %get3A_73] : memref<1x128xf32, #tpu.memory_space<vmem>>, vector<1x128xf32>
      %add3A_75 = vector.broadcast %get3A_74 : vector<1x128xf32> to vector<1024x128xf32>
      %add3A_76 = arith.addf %dot_general3A_71, %add3A_75 : vector<1024x128xf32>
      %mul3A_77 = arith.mulf %add3A_76, %add3A_76 : vector<1024x128xf32>
      %reduce_sum3A_78 = arith.constant dense<0.000000e+00> : vector<1024xf32>
      %reduce_sum3A_79 = vector.multi_reduction <add>, %mul3A_77, %reduce_sum3A_78 [1] : vector<1024x128xf32> to vector<1024xf32>
      %broadcast_in_dim3A_80 = vector.shape_cast %reduce_sum3A_79 : vector<1024xf32> to vector<1024x1xf32>
      %sqrt3A = math.sqrt %broadcast_in_dim3A_80 : vector<1024x1xf32>
      %max3A_81 = arith.constant 9.99999996E-13 : f32
      %max3A_82 = vector.broadcast %max3A_81 : f32 to vector<1024x1xf32>
      %max3A_83 = arith.maximumf %sqrt3A, %max3A_82 : vector<1024x1xf32>
      %div3A_84 = vector.broadcast %max3A_83 : vector<1024x1xf32> to vector<1024x128xf32>
      %div3A_85 = arith.divf %add3A_76, %div3A_84 : vector<1024x128xf32>
      %swap3A = arith.index_cast %multiple_of3A : i32 to index
      %swap3A_86 = arith.constant 0 : index
      %swap3A_87 = vector.load %arg12[%swap3A, %swap3A_86] : memref<10240x128xf32, #tpu.memory_space<vmem>>, vector<1024x128xf32>
      tpu.vector_store %arg12[%swap3A, %swap3A_86], %div3A_85 {strides = array<i32>} : memref<10240x128xf32, #tpu.memory_space<vmem>>, vector<1024x128xf32>,
    } else {
    }
    return
  }
  func.func @transform_0(%arg0: i32, %arg1: i32) -> (i32, i32) {
    %c0_i32 = arith.constant 0 : i32
    %c0_i32_0 = arith.constant 0 : i32
    return %arg1, %c0_i32 : i32, i32
  }
  func.func @transform_1(%arg0: i32, %arg1: i32) -> (i32, i32) {
    %c0_i32 = arith.constant 0 : i32
    %c0_i32_0 = arith.constant 0 : i32
    %c0_i32_1 = arith.constant 0 : i32
    return %c0_i32, %c0_i32_0 : i32, i32
  }
  func.func @transform_2(%arg0: i32, %arg1: i32) -> (i32, i32) {
    %c0_i32 = arith.constant 0 : i32
    %c0_i32_0 = arith.constant 0 : i32
    %c0_i32_1 = arith.constant 0 : i32
    return %c0_i32, %c0_i32_0 : i32, i32
  }
  func.func @transform_3(%arg0: i32, %arg1: i32) -> (i32, i32) {
    %c0_i32 = arith.constant 0 : i32
    %c0_i32_0 = arith.constant 0 : i32
    %c0_i32_1 = arith.constant 0 : i32
    return %c0_i32, %c0_i32_0 : i32, i32
  }
  func.func @transform_4(%arg0: i32, %arg1: i32) -> (i32, i32) {
    %c0_i32 = arith.constant 0 : i32
    %c0_i32_0 = arith.constant 0 : i32
    %c0_i32_1 = arith.constant 0 : i32
    return %c0_i32, %c0_i32_0 : i32, i32
  }
  func.func @transform_5(%arg0: i32, %arg1: i32) -> (i32, i32) {
    %c0_i32 = arith.constant 0 : i32
    %c0_i32_0 = arith.constant 0 : i32
    %c0_i32_1 = arith.constant 0 : i32
    return %c0_i32, %c0_i32_0 : i32, i32
  }
  func.func @transform_6(%arg0: i32, %arg1: i32) -> (i32, i32) {
    %c0_i32 = arith.constant 0 : i32
    %c0_i32_0 = arith.constant 0 : i32
    %c0_i32_1 = arith.constant 0 : i32
    return %c0_i32, %c0_i32_0 : i32, i32
  }
  func.func @transform_7(%arg0: i32, %arg1: i32) -> (i32, i32) {
    %c0_i32 = arith.constant 0 : i32
    %c0_i32_0 = arith.constant 0 : i32
    %c0_i32_1 = arith.constant 0 : i32
    return %c0_i32, %c0_i32_0 : i32, i32
  }
  func.func @transform_8(%arg0: i32, %arg1: i32) -> (i32, i32) {
    %c0_i32 = arith.constant 0 : i32
    %c0_i32_0 = arith.constant 0 : i32
    %c0_i32_1 = arith.constant 0 : i32
    return %c0_i32, %c0_i32_0 : i32, i32
  }
  func.func @transform_9(%arg0: i32, %arg1: i32) -> (i32, i32) {
    %c0_i32 = arith.constant 0 : i32
    %c0_i32_0 = arith.constant 0 : i32
    %c0_i32_1 = arith.constant 0 : i32
    return %c0_i32, %c0_i32_0 : i32, i32
  }
  func.func @transform_10(%arg0: i32, %arg1: i32) -> (i32, i32) {
    %c0_i32 = arith.constant 0 : i32
    %c0_i32_0 = arith.constant 0 : i32
    %c0_i32_1 = arith.constant 0 : i32
    return %c0_i32, %c0_i32_0 : i32, i32
  }
}

</mosaic_0001>

<sc_bundles>
// kernel: scatter_offload_async_start
scs
__scs_entry_jumppad:
0x0: {  	(pc) =	sbr.rel $0x88, $3  }
0x1: {  	(tag) =	ssettag $0x0;
	lr =	simm.s32 $0x1  }
0x2: {  	[smem:$0x3F98] =	sst lr;
	_ =	strace $0xD0000000  }
0x3: {  	_ = 	snop  }
0x4: {  	_ = 	snop  }
0x5: {  	_ = 	snop  }
0x6: {  	_ = 	snop  }
0x7: {  	_ = 	snop  }
__scs_overlays_trampoline_lowered:
0x8: {  	[smem:$0x3FA7] =	sst s0  }
0x9: {  	[smem:$0x3FA8] =	sst s1  }
0xa: {  	[smem:$0x3FA9] =	sst s2  }
0xb: {  	[smem:$0x3FAA] =	sst s3  }
0xc: {  	[smem:$0x3FAB] =	sst s4  }
0xd: {  	[smem:$0x3FAC] =	sst s5  }
0xe: {  	[smem:$0x3FAD] =	sst s6  }
0xf: {  	[smem:$0x3FAE] =	sst s7  }
0x10: {  	[smem:$0x3FAF] =	sst s8  }
0x11: {  	[smem:$0x3FB0] =	sst s9;
	s0 =	simm.s32 @!p0 $0x0  }
0x12: {  	s1 =	sld [smem:$0x3F96];
	s0 =	simm.s32 @p0 $0x1  }
0x13: {  	[smem:$0x3FB1] =	sst s0;
	s0 =	simm.s32 @!p1 $0x0  }
0x14: {  	s2 =	sld [smem:$0x3F95];
	s0 =	simm.s32 @p1 $0x1  }
0x15: {  	[smem:$0x3FB2] =	sst s0;
	s0 =	simm.s32 @!p2 $0x0  }
0x16: {  	s3 =	sld [smem:$0x3FDB];
	s0 =	simm.s32 @p2 $0x1  }
0x17: {  	s4 =	simm.s32 $0x1BF5;
	[smem:$0x3FB4] =	sst s0  }
0x18: {  	s0 =	sld [smem:$0x3F97];
	_ =	swait.ge [sflag:s4], $0x0  }
0x19: {  	s7 =	sld [smem:$0x3F98]  }
0x1a: {  	s8 =	sadd.s32 $0xFFFFE003, lr  }
0x1b: {  	s9 =	sadd.s32 $0xFFFFFEF7, lr;
	s5 =	simm.s32 $0xFFFFFFFF;
	p2 =	slt.u32 s8, $0xFFFFF086  }
0x1c: {  	p1 =	slt.u32 s9, $0xF7A;
	s5 =	simm.s32 @!p2 $0x0  }
0x1d: {  	s5 =	simm.s32 @p1 $0x1;
	p0 =	seq.s32 s7, s2  }
0x1e: {  	s7 =	smul.u32 @!p0 $0xF7A, s2;
	p2 =	seq.s32 @!p0 s5, $0x0  }
0x1f: {  	s9 =	smul.u32 $0xF7A, s1;
	s8 =	simm.s32 @!p0 $0x1BF5;
	p2 =	por !p2, p0  }
0x20: {  	[sflag:s8] =	ssyncset.s32 @!p0 $0xFFFFF086;
	s6 =	sadd.s32 @!p0 s3, s7;
	s7 =	simm.s32 @!p0 $0x108  }
0x21: {  	s3 =	sadd.s32 s3, s9;
	s6 =	sadd.s32 @!p0 $0x88, s6;
	s7 =	simm.s32 @p2 $0x1082  }
0x22: {  	[simem:s7], [sflag:s8] =	dma.local @!p0 [hbm:s6], $0xF7A  }
0x23: {  	s9 =	sor.u32 $0xD0000000, s2;
	s6 =	simm.s32 $0x108;
	_ =	swait.ge @!p0 [sflag:s8], $0x0  }
0x24: {  	s3 =	sadd.s32 $0x88, s3;
	s6 =	simm.s32 @!p1 $0x1082;
	[sflag:s4] =	ssyncset.s32 $0xFFFFF086  }
0x25: {  	[simem:s6], [sflag:s4] =	dma.local [hbm:s3], $0xF7A  }
0x26: {  	[smem:$0x3F98] =	sst s1;
	(tag) =	ssettag s2;
	_ =	strace s9  }
0x27: {  	s1 =	sld [smem:$0x3FA8]  }
0x28: {  	s2 =	sld [smem:$0x3FA9]  }
0x29: {  	s4 =	sld [smem:$0x3FAB]  }
0x2a: {  	p0 =	seq.s32 s5, $0x0;
	s5 =	sld [smem:$0x3FAC]  }
0x2b: {  	s6 =	sld [smem:$0x3FAD]  }
0x2c: {  	s7 =	sld [smem:$0x3FAE]  }
0x2d: {  	s3 =	simm.s32 $0x108;
	s8 =	sld [smem:$0x3FAF]  }
0x2e: {  	s3 =	simm.s32 @!p0 $0x1082;
	s9 =	sld [smem:$0x3FB0]  }
0x2f: {  	lr =	sadd.s32 s0, s3;
	s0 =	sld [smem:$0x3FA7]  }
0x30: {  	s3 =	sld [smem:$0x3FAA]  }
0x31: {  	[smem:$0x3FB3] =	sst s10  }
0x32: {  	s10 =	sld [smem:$0x3FB1];
	_ =	sdelay $0x3  }
0x33: {  	p0 =	seq.s32 s10, $0x1;
	s10 =	sld [smem:$0x3FB3];
	_ =	sdelay $0x3  }
0x34: {  	[smem:$0x3FB3] =	sst s10  }
0x35: {  	s10 =	sld [smem:$0x3FB2];
	_ =	sdelay $0x3  }
0x36: {  	p1 =	seq.s32 s10, $0x1;
	s10 =	sld [smem:$0x3FB3];
	_ =	sdelay $0x3  }
0x37: {  	[smem:$0x3FB3] =	sst s10  }
0x38: {  	s10 =	sld [smem:$0x3FB4]  }
0x39: {  	_ = 	snop;
	(pc) =	sbr.ind lr, $3  }
0x3a: {  	_ = 	snop  }
0x3b: {  	_ = 	snop  }
0x3c: {  	p2 =	seq.s32 s10, $0x1;
	s10 =	sld [smem:$0x3FB3]  }
0x3d: {  	_ =	shalt  }
0x3e: {  	_ =	shalt  }
0x3f: {  	_ =	shalt  }
0x40: {  	_ =	shalt  }
0x41: {  	_ =	shalt  }
0x42: {  	_ =	shalt  }
0x43: {  	_ =	shalt  }
0x44: {  	_ =	shalt  }
0x45: {  	_ =	shalt  }
0x46: {  	_ =	shalt  }
0x47: {  	_ =	shalt  }
0x48: {  	_ =	shalt  }
0x49: {  	_ =	shalt  }
0x4a: {  	_ =	shalt  }
0x4b: {  	_ =	shalt  }
0x4c: {  	_ =	shalt  }
0x4d: {  	_ =	shalt  }
0x4e: {  	_ =	shalt  }
0x4f: {  	_ =	shalt  }
0x50: {  	_ =	shalt  }
0x51: {  	_ =	shalt  }
0x52: {  	_ =	shalt  }
0x53: {  	_ =	shalt  }
0x54: {  	_ =	shalt  }
0x55: {  	_ =	shalt  }
0x56: {  	_ =	shalt  }
0x57: {  	_ =	shalt  }
0x58: {  	_ =	shalt  }
0x59: {  	_ =	shalt  }
0x5a: {  	_ =	shalt  }
0x5b: {  	_ =	shalt  }
0x5c: {  	_ =	shalt  }
0x5d: {  	_ =	shalt  }
0x5e: {  	_ =	shalt  }
0x5f: {  	_ =	shalt  }
0x60: {  	_ =	shalt  }
0x61: {  	_ =	shalt  }
0x62: {  	_ =	shalt  }
0x63: {  	_ =	shalt  }
0x64: {  	_ =	shalt  }
0x65: {  	_ =	shalt  }
0x66: {  	_ =	shalt  }
0x67: {  	_ =	shalt  }
0x68: {  	_ =	shalt  }
0x69: {  	_ =	shalt  }
0x6a: {  	_ =	shalt  }
0x6b: {  	_ =	shalt  }
0x6c: {  	_ =	shalt  }
0x6d: {  	_ =	shalt  }
0x6e: {  	_ =	shalt  }
0x6f: {  	_ =	shalt  }
0x70: {  	_ =	shalt  }
0x71: {  	_ =	shalt  }
0x72: {  	_ =	shalt  }
0x73: {  	_ =	shalt  }
0x74: {  	_ =	shalt  }
0x75: {  	_ =	shalt  }
0x76: {  	_ =	shalt  }
0x77: {  	_ =	shalt  }
0x78: {  	_ =	shalt  }
0x79: {  	_ =	shalt  }
0x7a: {  	_ =	shalt  }
0x7b: {  	_ =	shalt  }
0x7c: {  	_ =	shalt  }
0x7d: {  	_ =	shalt  }
0x7e: {  	_ =	shalt  }
0x7f: {  	_ =	shalt  }
0x80: {  	_ =	shalt  }
0x81: {  	_ =	shalt  }
0x82: {  	_ =	shalt  }
0x83: {  	_ =	shalt  }
0x84: {  	_ =	shalt  }
0x85: {  	_ =	shalt  }
0x86: {  	_ =	shalt  }
0x87: {  	_ =	shalt  }
.Lfunc_end0:
.L_simem_size_0:
called_computation_lowered:
.L_overlay_start_0:
0x88: {  	s0 =	sld [smem:$0x3FD9]  }
0x89: {  	s1 =	sld [smem:$0x3FFE];
	_ =	sdelay $0x3  }
0x8a: {  	s0 =	sadd.s32 s1, s0  }
0x8b: {  	[smem:$0x3FBF] =	sst s0  }
0x8c: {  	_ = 	snop  }
0x8d: {  	s0 =	sld [smem:$0x3FD0];
	(tm) =	ssettm $0x1  }
0x8e: {  	s16 =	sld [smem:$0x3FFB];
	_ =	sdelay $0x3  }
0x8f: {  	_ =	strace s16  }
0x90: {  	s1 =	sld [smem:$0x3FFC];
	_ =	sdelay $0x3  }
0x91: {  	_ =	strace s1  }
0x92: {  	s1 =	sld [smem:$0x3FFD];
	_ =	sdelay $0x3  }
0x93: {  	_ =	strace s1  }
0x94: {  	_ =	strace $0x8FFFFFFF  }
0x95: {  	s17 =	sld [smem:$0x3FDB];
	_ =	sdelay $0x1  }
0x96: {  	s2 =	simm.s32 $_scs_section_size  }
0x97: {  	s3 =	simm.s32 $_size__tile_overlayer_lowered;
	s4 =	simm.s32 $_tile_overlayer_lowered  }
0x98: {  	s20 =	simm.s32 $0x1BFF;
	s19 =	sshll.u32 s4, $0x1;
	s1 =	sadd.s32 s2, s17  }
0x99: {  	s5 =	simm.s32 $0x0;
	s18 =	sshll.u32 s3, $0x1;
	s3 =	sadd.s32 s19, s1  }
0x9a: {  	[timem:s5], [sflag:s20] =	dma.local [hbm:s3], s18  }
0x9b: {  	_ =	swait.ge [sflag:s20], s18  }
0x9c: {  	s2 =	ssub.s32 $0x0, s18;
	[sflag:s20] =	ssyncset.done $0x0  }
0x9d: {  	[sflag:s20] =	ssyncadd.s32 s2;
	_ =	sdelay $0x1  }
0x9e: {  	s21 =	simm.s32 $0x1B8B  }
0x9f: {  	_ =	swait.ge [sflag:s21], $0x1  }
0xa0: {  	[sflag:s21] =	ssyncset.done $0x0  }
0xa1: {  	s23 =	simm.s32 $0x1B8E;
	s22 =	sld [smem:$0x3FFE];
	[sflag:s21] =	ssyncadd.s32 $0xFFFFFFFF  }
0xa2: {  	s24 =	simm.s32 $execute0_lowered;
	[smem:$0x3FD2] =	sst s23  }
0xa3: {  	s3 =	sshll.u32 s24, $0x1;
	_ =	strace $0x80000046;
	[dreg:$0x1] =	wrdreg $0xFFFFFFFF  }
0xa4: {  	s25 =	simm.s32 $_size_execute0_lowered;
	s1 =	sadd.s32 s1, s3;
	[dreg:$0x0] =	wrdreg $0x0  }
0xa5: {  	s3 =	sshll.u32 s25, $0x1;
	[dreg:$0x2] =	wrdreg s1  }
0xa6: {  	[dreg:$0x3] =	wrdreg s3  }
0xa7: {  	[dreg:$0x4] =	wrdreg $0xC0  }
0xa8: {  	_ =	task [dreg:s5], $0x5FFFF  }
0xa9: {  	[dreg:$0x1] =	wrdreg $0xFFFFFFFF  }
0xaa: {  	[dreg:$0x0] =	wrdreg $0x60  }
0xab: {  	[dreg:$0x2] =	wrdreg s22  }
0xac: {  	[dreg:$0x3] =	wrdreg s0  }
0xad: {  	[dreg:$0x4] =	wrdreg $0x9  }
0xae: {  	_ =	task.clear_ibuf [dreg:s5], $0x5FFFF;
	_ =	strace $0x90000046  }
0xaf: {  	s26 =	simm.s32 $0x9;
	_ =	strace $0x80000048  }
0xb0: {  	_ =	swait.ge [sflag:s26], $0x1  }
0xb1: {  	[sflag:s26] =	ssyncadd.s32 $0xFFFFFFFF  }
0xb2: {  	_ =	strace $0x90000048  }
0xb3: {  	_ =	sfence  }
0xb4: {  	s28 =	sld [smem:$0x0];
	_ =	sdelay $0x1  }
0xb5: {  	s29 =	srdreg.scid  }
0xb6: {  	s30 =	sshll.u32 s29, $0xD;
	s31 =	sshrl.u32 s29, $0x2  }
0xb7: {  	s2 =	sand.u32 $0x4000, s30;
	s1 =	sand.u32 $0x1, s29;
	s0 =	sadd.s32 s31, s28  }
0xb8: {  	s1 =	sor.u32 s2, s1;
	s0 =	sshll.u32 s0, $0x11  }
0xb9: {  	s0 =	sor.u32 s0, s1  }
0xba: {  	s0 =	sadd.s32 $0x8F2B, s0  }
0xbb: {  	[sflag:s0] =	ssyncadd.remote.s32 $0x1  }
0xbc: {  	_ =	sfence.sel $0xFFFF  }
0xbd: {  	[dreg:$0x0] =	wrdreg $0xFFFFFFFF;
	(pc) =	sbr.abs _section_cstart, $3  }
0xbe: {  	[dreg:$0x1] =	wrdreg $0xFFFFFFFF  }
0xbf: {  	_ =	task.clear_ibuf [dreg:s5], $0x2FFFF;
	_ =	strace $0x9FFFFFFF  }
0xc0: {  	(tm) =	ssettm $0x7FFFFFFF  }
0xc1: {  	_ =	shalt  }
tec
execute0_lowered:
.L_overlay_start_1:
0x0: {  	(tag) =	ssettag $0x1  }
0x1: {  	s0 =	rddreg [dreg:$0x0];
	_ =	strace $0x80000047;
	s3 =	stileid.u32  }
0x2: {  	s2 =	simm.s32 $0x1;
	s1 =	smin.u32 s3, $0x8;
	s4 =	sshll.u32 s3, $0x1  }
0x3: {  	v1 =	vimm.s32 $0xFFFFFFFF;
	[sflag:s2] =	ssyncpa.u1 $0x0;
	s1 =	sadd.s32 s1, s4  }
0x4: {  	p0 =	slt.u32 s3, $0x8;
	[tilespmem:$0x10] =	vst v1;
	s5 =	smul.u32 $0x1F40, s1;
	s1 =	simm.s32 $0x5DC0  }
0x5: {  	v0 =	vimm.s32 $0x0;
	[tilespmem:$0x20] =	vst v1;
	s1 =	simm.s32 @!p0 $0x3E80  }
0x6: {  	[tilespmem:$0x30] =	vst v0;
	s1 =	sadd.s32 s1, s5  }
0x7: {  	[tilespmem:$0x40] =	vst v0;
	s6 =	smin.u32 s1, $0x4E200  }
0x8: {  	s7 =	simm.s32 $0x2;
	[tilespmem:$0x50] =	vst v0;
	s9 =	ssub.s32 s6, s5  }
0x9: {  	s8 =	simm.s32 $0x8;
	s31 =	simm.s32 $0x9;
	[tilespmem:$0x60] =	vst v1;
	p0 =	sgt.s32 s9, $0x0  }
0xa: {  	s16 =	simm.s32 $0x0;
	s17 =	simm.s32 $0xF0;
	[tilespmem:$0x70] =	vst v1;
	s9 =	simm.s32 @!p0 $0x0  }
0xb: {  	s18 =	simm.s32 $0xFFFFFFFF;
	s19 =	simm.s32 $0xFFFFC280;
	[tilespmem:$0x80] =	vst v1;
	s30 =	smulhi.u32 $0x10624DD3, s9  }
0xc: {  	s20 =	simm.s32 $0xFFFFFFFE;
	s21 =	simm.s32 $0xF;
	s25 =	simm.s32 $0x0;
	[tilespmem:$0x90] =	vst v0  }
0xd: {  	s24 =	simm.s32 $0x0;
	s15 =	sshllo.u32 s3, $0x1;
	[tilespmem:$0xA0] =	vst v0;
	s10 =	sshrl.u32 s30, $0x9  }
0xe: {  	[tilespmem:$0xB0] =	vst v0;
	[sflag:s7] =	ssyncpa.u1 $0x0;
	s7 =	simm.s32 $0x7;
	s11 =	smul.u32 $0x1F40, s10  }
.Ltmp0:
0xf: {  	s13 =	sor.u32 $0x80, s4;
	[sflag:s7] =	ssyncpa.u1 $0x0;
	(pc) =	sbr.rel .LBB2_1-.Ltmp0, $4  }
0x10: {  	s14 =	sor.u32 $0x81, s4;
	[sflag:s8] =	ssyncpa.u1 $0x0;
	p0 =	sne.s32 s9, s11  }
0x11: {  	[sflag:s31] =	ssyncpa.u1 $0x0;
	s23 =	smov.u32 s5;
	s2 =	simm.s32 @!p0 $0x0  }
0x12: {  	vm0 =	vmmov $0xffff;
	vm1 =	vmxor vm1, vm1;
	s1 =	sadd.s32 $0x800, s0;
	s9 =	sadd.s32 $0xC80800, s0;
	s10 =	sadd.s32 s2, s10  }
0x13: {  	vm2 =	vmmov $0x1;
	vm3 =	vcmask $0x3F3C;
	v1 =	vlaneseq.u32;
	p0 =	por $0x0, $0x0;
	s11 =	sadd.s32 $0x1, s10;
	s12 =	sadd.s32 $0x2, s10  }
.LBB2_9:
0x14: {  	p1 =	slt.u32 s24, $0x3  }
0x15: {  	s0 =	simm.s32 @!p1 $0x2  }
0x16: {  	_ =	swait.ge @!p1 [sflag:s0], $0x1F40  }
0x17: {  	[sflag:s0] =	ssyncset.done @!p1 $0x0  }
0x18: {  	[sflag:s0] =	ssyncadd.s32 @!p1 $0xFFFFE0C0;
	s0 =	simm.s32 @!p1 $0x9  }
0x19: {  	_ =	swait.ge @!p1 [sflag:s0], $0x10  }
0x1a: {  	[sflag:s0] =	ssyncset.done @!p1 $0x0  }
0x1b: {  	[sflag:s0] =	ssyncadd.s32 @!p1 $0xFFFFFFF0;
	p1 =	sne.s32 s24, s12  }
.Ltmp1:
0x1c: {  	s2 =	sadd.s32 $0x1F40, s23;
	(pc) =	sbr.rel @!p1 .LBB2_10-.Ltmp1, $4  }
0x1d: {  	s3 =	smov.u32 s5;
	s31 =	sadd.s32 $0x1, s24;
	s17 =	sadd.s32 $0x1F40, s17  }
0x1e: {  	s18 =	sadd.s32 $0x1, s18;
	s25 =	smov.u32 s23;
	p2 =	slt.s32 s2, s6  }
0x1f: {  	p0 =	por !p0, !p0;
	s19 =	sadd.s32 $0x1F40, s19;
	s3 =	smov.u32 @p2 s2  }
0x20: {  	s20 =	sadd.s32 $0x1, s20;
	s23 =	smov.u32 s3;
	s24 =	smov.u32 s31  }
.LBB2_1:
0x21: {  	p1 =	sge.u32 s24, s10  }
0x22: {  	s0 =	smulhi.u32 @!p1 $0xAAAAAAAB, s24;
	_ =	sdelay $0x1  }
0x23: {  	s0 =	sshrl.u32 @!p1 s0, $0x1  }
0x24: {  	s0 =	smul.u32 @!p1 $0x3, s0;
	_ =	sdelay $0x1  }
0x25: {  	s0 =	ssub.s32 @!p1 s24, s0  }
0x26: {  	s0 =	smul.u32 @!p1 $0x7D00, s0;
	_ =	sdelay $0x1  }
0x27: {  	s3 =	rddreg [dreg:$0x1];
	s2 =	sshrl.u32 @!p1 s23, $0x3;
	s0 =	sshrl.u32 @!p1 s0, $0x2  }
0x28: {  	s22 =	sand.u32 @!p1 $0x7, s23;
	s2 =	sadd.s32 @!p1 s3, s2;
	s0 =	sadd.s32 @!p1 $0x100, s0  }
0x29: {  	[tilespmem:s0], [sflag:$0x7] =	stream.linear.gather @!p1 [hbm4b:s2+s22], $0x1F40, $0x38;
	[tilespmem:$0x11A60] =	vst v63  }
0x2a: {  	s0 =	sadd.s32 $0xFFFFFFFF, s24  }
0x2b: {  	p1 =	sge.u32 s0, s10  }
.Ltmp2:
0x2c: {  	_ = 	snop;
	(pc) =	sbr.rel @p1 .LBB2_5-.Ltmp2, $1  }
0x2d: {  	_ =	sdelay $0x3  }
0x2e: {  	s2 =	smulhi.u32 $0xAAAAAAAB, s0;
	_ =	sdelay $0x1  }
0x2f: {  	s2 =	sshrl.u32 s2, $0x1  }
0x30: {  	s2 =	smul.u32 $0x3, s2;
	_ =	sdelay $0x1  }
0x31: {  	s2 =	ssub.s32 s0, s2  }
0x32: {  	s2 =	smul.u32 $0x7D00, s2  }
0x33: {  	_ =	swait.ge [sflag:s7], $0x1F40  }
0x34: {  	[sflag:s7] =	ssyncset.done $0x0;
	s2 =	sshrl.u32 s2, $0x2  }
0x35: {  	[sflag:s7] =	ssyncadd.s32 $0xFFFFE0C0;
	(ifvalue) =	ssetifvalue $0xFFFFFFFF;
	v2 =	vld.msk [tilespmem:s2+$0x100 ss:$0x1], $0xffff;
	_ =	sdelay $0x2  }
0x36: {  	s30 =	smulhi.u32 $0xAAAAAAAB, s18;
	p1 =	sne.s32 s24, $0x1  }
0x37: {  	v3 =	vimm.s32 @!p1 $0x0  }
0x38: {  	s2 =	sshrl.u32 s30, $0x1;
	v3 =	vperm.xlane @!p1 v2, v3  }
0x39: {  	s22 =	sshll.u32 s24, $0x4;
	s2 =	smul.u32 $0xFFFE8900, s2;
	vm4 =	vlt.u32 v2, $0x6400000  }
0x3a: {  	s22 =	sand.u32 $0x10, s22;
	v2 =	vnsel vm4, $0xFFFFFFFE, v2;
	vm4 =	vlt.u32 @!p1 v3, $0x6400000  }
0x3b: {  	s2 =	sshra.s32 s2, $0x2;
	[tilespmem:s22+$0x60] =	vst v2;
	v2 =	vnsel @!p1 vm4, $0xFFFFFFFE, v3  }
0x3c: {  	s2 =	sadd.s32 s2, s17;
	[tilespmem:$0x80] =	vst @!p1 v2  }
0x3d: {  	v2 =	vld.msk [tilespmem:s2+$0x0 ss:$0x1], $0xffff;
	_ =	sdelay $0x4  }
0x3e: {  	(xrf1) =	vunique.msk.u32 $0xffff, v2;
	_ =	sdelay $0xd  }
0x3f: {  	v3 =	vimm.s32 $0xFFFFFFFF;
	v4, _, _ =	vpop (xrf1)  }
0x40: {  	vm5 =	vne.s32 v2, v3;
	vm4 =	veq.s32 v4, v1  }
0x41: {  	vm6 =	vlt.u32 v2, $0x6400000;
	vm4 =	vmand vm5, vm4  }
0x42: {  	vm4 =	vmand vm6, vm4  }
0x43: {  	v3 =	vnsel vm4, $0xFFFFFFFF, v2  }
0x44: {  	s31 =	sand.u32 $0x1, s0  }
0x45: {  	s26 =	simm.s32 $0x1F40;
	p1 =	seq.s32 s31, $0x1  }
0x46: {  	s26 =	simm.s32 @!p1 $0x0  }
0x47: {  	s0 =	sadd.s32 $0x7DF0, s26;
	(ifvalue) =	ssetifvalue $0xFFFFFFFF  }
0x48: {  	v2 =	vperm.xlane v2, v0;
	[tilespmem:s0], [sflag:$0x8] =	stream.indirect_vreg.gather [hbm4b:s1+s16], $0x1, v3, vm0, $0x4038;
	v3 =	vnsel vm6, $0xFFFFFFFE, v3;
	[tilespmem:$0x11A60] =	vst v63  }
0x49: {  	s28 =	simm.s32 $0x0;
	s29 =	sadd.s32 $0xFFFFFFF0, s2;
	[tilespmem:s2+$0x0] =	vst v3  }
.LBB2_3:
0x4a: {  	v3 =	vld.msk [tilespmem:s29+$0x0 ss:$0x1], $0xffff;
	s28 =	sadd.s32 $0x10, s28;
	v4 =	vmov v2;
	s2 =	smov.u32 s29  }
0x4b: {  	p1 =	slt.u32 s28, $0x1F30;
	_ =	sdelay $0x4  }
0x4c: {  	v2 =	vperm.xlane v3, v0;
	(xrf1) =	vunique.msk.u32 $0xffff, v3;
	_ =	sdelay $0xd  }
0x4d: {  	v5, _, _ =	vpop (xrf1)  }
0x4e: {  	vm5 =	vne.s32 v3, v4;
	vm4 =	veq.s32 v5, v1  }
0x4f: {  	vm6 =	vlt.u32 v3, $0x6400000;
	vm4 =	vmand vm5, vm4  }
0x50: {  	vm4 =	vmand vm6, vm4  }
0x51: {  	v3 =	vnsel vm4, $0xFFFFFFFF, v3  }
.Ltmp3:
0x52: {  	v4 =	vnsel vm6, $0xFFFFFFFE, v3;
	(pc) =	sbr.rel @p1 .LBB2_3-.Ltmp3, $3  }
0x53: {  	_ =	sdelay $0x1  }
0x54: {  	s29 =	sadd.s32 $0xFFFFFFF0, s29;
	s0 =	sadd.s32 $0xFFFFFFF0, s0;
	(ifvalue) =	ssetifvalue $0xFFFFFFFF  }
0x55: {  	[tilespmem:s0], [sflag:$0x8] =	stream.indirect_vreg.gather [hbm4b:s1+s16], $0x1, v3, vm0, $0x4038;
	[tilespmem:s2+$0x0] =	vst v4  }
0x56: {  	s0 =	sshrl.u32 s25, $0x3  }
0x57: {  	s2 =	sadd.s32 $0x9D40, s26;
	s0 =	sadd.s32 s9, s0  }
0x58: {  	[tilespmem:s2], [sflag:$0x8] =	stream.linear.gather [hbm:s0], $0x1F40, $0x38;
	[tilespmem:$0x11A60] =	vst v63  }
.LBB2_5:
0x59: {  	p1 =	slt.u32 s24, $0x2  }
0x5a: {  	p2 =	sge.u32 @!p1 s24, s12  }
0x5b: {  	p1 =	por p1, p2  }
.Ltmp4:
0x5c: {  	_ = 	snop;
	(pc) =	sbr.rel @p1 .LBB2_9-.Ltmp4, $1  }
0x5d: {  	_ =	sdelay $0x3  }
0x5e: {  	s0 =	sadd.s32 $0xFFFFFFFE, s24  }
0x5f: {  	s2 =	smulhi.u32 $0xAAAAAAAB, s0;
	_ =	sdelay $0x1  }
0x60: {  	s2 =	sshrl.u32 s2, $0x1  }
0x61: {  	s2 =	smul.u32 $0x3, s2;
	_ =	sdelay $0x1  }
0x62: {  	s0 =	ssub.s32 s0, s2  }
0x63: {  	_ =	swait.ge [sflag:s8], $0x3E80;
	s0 =	smul.u32 $0x1F40, s0  }
0x64: {  	p1 =	sne.s32 s24, s11;
	[sflag:s8] =	ssyncset.done $0x0  }
0x65: {  	[sflag:s8] =	ssyncadd.s32 $0xFFFFC180;
	s2 =	sadd.s32 @!p1 $0x203F, s0  }
0x66: {  	[spmem:s14] =	stream.linear.scatter @!p1 [tilespmem:s2], [sflag:$0x1], $0x1, $0x38;
	[tilespmem:$0x11A60] =	vst v63  }
0x67: {  	s2 =	simm.s32 @!p1 $0x1  }
0x68: {  	_ =	swait.ge @!p1 [sflag:s2], $0x1  }
0x69: {  	s22 =	sshll.u32 s24, $0x4;
	[sflag:s2] =	ssyncset.done @!p1 $0x0  }
0x6a: {  	s25 =	sand.u32 $0x10, s22;
	[sflag:s2] =	ssyncadd.s32 @!p1 $0xFFFFFFFF  }
0x6b: {  	s2 =	sxor.u32 $0x10, s25;
	v3 =	vld [tilespmem:s25+$0x10]  }
0x6c: {  	v4 =	vld [tilespmem:s2+$0x60]  }
0x6d: {  	v2 =	vld [tilespmem:$0x80];
	_ =	sdelay $0x2  }
0x6e: {  	(v2sf) =	vpush v3, $0x0  }
0x6f: {  	(v2sf) =	vpush v4, $0x0  }
0x70: {  	(v2sf) =	vpush v2, $0x0;
	_ =	sdelay $0xc  }
0x71: {  	s3 =	spop (v2sf)  }
0x72: {  	s26 =	spop (v2sf)  }
0x73: {  	s28 =	spop (v2sf)  }
0x74: {  	p2 =	seq.s32 s3, s26;
	p3 =	seq.s32 s28, s3  }
0x75: {  	p3 =	por p2, p3  }
0x76: {  	s26 =	sand.u32 $0x1, s24;
	v3 =	vpsel p3, $0xFFFFFFFF, v3  }
0x77: {  	s29 =	smul.u32 $0x1F40, s26;
	[tilespmem:s25+$0x10] =	vst.msk $0x1, v3  }
0x78: {  	v3 =	vld [tilespmem:$0x30]  }
0x79: {  	v4 =	vld [tilespmem:s29+$0x9D40]  }
0x7a: {  	v5 =	vld [tilespmem:s25+$0x40];
	_ =	sdelay $0x2  }
0x7b: {  	vm4 =	vmmov vm1  }
0x7c: {  	vm5 =	vmmov vm2;
	vm4 =	vmmov @p2 vm2;
	s22 =	sshll.u32 s26, $0x4;
	v4 =	vadd.s32 v3, v4  }
0x7d: {  	s26 =	sor.u32 $0x11A40, s22;
	vm5 =	vmmov @p3 vm1;
	v3 =	vadd.s32 v3, v5;
	[tilespmem:s29+$0x9D40] =	vst.msk vm4, v4  }
0x7e: {  	[tilespmem:s26+$0x0] =	vst.msk vm5, v3  }
0x7f: {  	v3 =	vld [tilespmem:s29+$0x7DF0];
	_ =	sdelay $0x3  }
0x80: {  	v4 =	vimm.s32 $0x0  }
0x81: {  	v3 =	vshift.insert v3, v4, s21  }
0x82: {  	s3 =	sor.u32 $0x40, s2  }
0x83: {  	[tilespmem:s3+$0x0] =	vst.msk $0x1, v3  }
0x84: {  	[tilespmem:s29+$0x7DFF] =	vst.msk $0x1, v4  }
0x85: {  	v3 =	vld [tilespmem:s0+$0x2030]  }
0x86: {  	s3 =	smulhi.u32 $0xAAAAAAAB, s20;
	_ =	sdelay $0x1  }
0x87: {  	s22 =	simm.s32 $0x1;
	s0 =	sshrl.u32 s3, $0x1  }
0x88: {  	s22 =	simm.s32 @!p0 $0x0;
	s0 =	smul.u32 $0xFFFE8900, s0  }
0x89: {  	s22 =	smul.u32 $0x7D00, s22;
	v3 =	vshift.insert v3, v4, s21  }
0x8a: {  	s0 =	sshra.s32 s0, $0x2  }
0x8b: {  	s22 =	sshrl.u32 s22, $0x2;
	s3 =	sadd.s32 s0, s19;
	[tilespmem:s2+$0x10] =	vst.msk $0x1, v3  }
0x8c: {  	s30 =	sadd.s32 $0x9D40, s22;
	v5 =	vld [tilespmem:s3+$0x0]  }
0x8d: {  	v6 =	vld [tilespmem:s30+$0x0];
	_ =	sdelay $0x4  }
0x8e: {  	vm4 =	vne.s32 v5, $0xFFFFFFFF;
	v6 =	vadd.s32 v4, v6;
	v4 =	vperm.xlane v3, v4  }
0x8f: {  	s31 =	sadd.s32 $0x5EC0, s22;
	(xrf0) =	vadd.seg.scan.s32 vm4, v6  }
0x90: {  	vm5 =	veq.s32 v5, v2;
	v6 =	vld [tilespmem:s31+$0x0];
	vm6 =	veq.s32 v5, v4  }
0x91: {  	vm7 =	vgt.u32 v5, $0xFFFFFFFD;
	vm6 =	vmor vm6, vm5  }
0x92: {  	v7 =	vld [tilespmem:$0xA0];
	vm6 =	vmor vm6, vm7  }
0x93: {  	v9 =	vld [tilespmem:$0x90];
	v5 =	vsel vm6, $0xFFFFFFFF, v5;
	_ =	sdelay $0x1  }
0x94: {  	v6 =	vsel vm5, $0x0, v6;
	v8, _, _ =	vpop (xrf0)  }
0x95: {  	s0 =	sadd.s32 $0xDBC0, s22;
	vm4 =	vmand vm4, vm3;
	v6 =	vadd.s32 v6, v8  }
0x96: {  	s22 =	sadd.s32 $0x10, s3;
	s2 =	simm.s32 $0x0;
	vm6 =	veq.s32 v7, $0x1;
	[tilespmem:s0+$0x0] =	vst v6;
	(ifvalue) =	ssetifvalue $0xFFFFFFFF;
	v6 =	vsel vm4, $0x0, v8  }
0x97: {  	vm4 =	vmor vm6, vm5;
	[hbm4b:s1+s16] =	stream.indirect_vreg.scatter [tilespmem:s0], [sflag:$0x2], $0x1, v5, vm0, $0x4038;
	v5 =	vsel vm5, v8, v9;
	v6 =	vshift.insert v6, v0, s21;
	[tilespmem:$0x11A60] =	vst v63  }
.LBB2_7:
0x98: {  	v7 =	vld [tilespmem:s22+$0x0];
	s30 =	sadd.s32 $0x10, s30  }
0x99: {  	s31 =	sadd.s32 $0x10, s31;
	v8 =	vld [tilespmem:s30+$0x0]  }
0x9a: {  	s2 =	sadd.s32 $0x10, s2;
	v9 =	vld [tilespmem:s31+$0x0]  }
0x9b: {  	p2 =	slt.u32 s2, $0x1F30;
	_ =	sdelay $0x2  }
0x9c: {  	vm5 =	vne.s32 v7, $0xFFFFFFFF;
	v6 =	vadd.s32 v6, v8  }
0x9d: {  	vm6 =	vmand vm5, vm3;
	(xrf0) =	vadd.seg.scan.s32 vm5, v6  }
0x9e: {  	vm7 =	veq.s32 v7, v4;
	vm5 =	veq.s32 v7, v2  }
0x9f: {  	vm8 =	vgt.u32 v7, $0xFFFFFFFD;
	vm4 =	vmor vm4, vm5;
	vm7 =	vmor vm7, vm5  }
0xa0: {  	vm7 =	vmor vm7, vm8  }
0xa1: {  	v7 =	vsel vm7, $0xFFFFFFFF, v7  }
.Ltmp5:
0xa2: {  	(pc) =	sbr.rel @p2 .LBB2_7-.Ltmp5, $4  }
0xa3: {  	v6 =	vsel vm5, $0x0, v9;
	v8, _, _ =	vpop (xrf0)  }
0xa4: {  	s0 =	sadd.s32 $0x10, s0;
	v5 =	vsel vm5, v8, v5;
	v6 =	vadd.s32 v6, v8;
	v8 =	vsel vm6, $0x0, v8  }
0xa5: {  	s22 =	sadd.s32 $0x10, s22;
	[tilespmem:s0+$0x0] =	vst v6;
	v6 =	vshift.insert v8, v0, s21;
	(ifvalue) =	ssetifvalue $0xFFFFFFFF  }
0xa6: {  	[hbm4b:s1+s16] =	stream.indirect_vreg.scatter [tilespmem:s0], [sflag:$0x2], $0x1, v7, vm0, $0x4038;
	[tilespmem:$0x11A60] =	vst v63  }
0xa7: {  	v2 =	vld [tilespmem:s29+$0xFAF0];
	_ =	sdelay $0x4  }
0xa8: {  	v2 =	vshift.insert v2, v0, s21  }
0xa9: {  	s0 =	simm.s32 $0x30  }
0xaa: {  	[tilespmem:s0+$0x0] =	vst.msk $0x1, v2  }
0xab: {  	v2 =	vsel vm4, $0x1, v0;
	[tilespmem:$0x90] =	vst v5  }
0xac: {  	s0 =	sadd.s32 @!p1 $0xFAFF, s29;
	[tilespmem:$0xA0] =	vst v2  }
0xad: {  	[spmem:s15] =	stream.linear.scatter @!p1 [tilespmem:s0], [sflag:$0x1], $0x1, $0x38;
	[tilespmem:$0x11A60] =	vst v63  }
0xae: {  	s0 =	simm.s32 @!p1 $0x1  }
0xaf: {  	v2 =	vmctz.xlane @!p1 vm4;
	_ =	swait.ge @!p1 [sflag:s0], $0x1  }
0xb0: {  	(v2sf) =	vpush @!p1 v3, $0x0  }
0xb1: {  	(v2sf) =	vpush @!p1 v2, $0x0;
	_ =	sdelay $0xd  }
0xb2: {  	s2 =	spop @!p1 (v2sf)  }
0xb3: {  	s3 =	spop @!p1 (v2sf)  }
0xb4: {  	p2 =	sne.s32 @!p1 s28, s2;
	p3 =	slt.s32 @!p1 s3, $0xF  }
0xb5: {  	[sflag:s0] =	ssyncset.done @!p1 $0x0;
	p2 =	por p2, p1;
	p3 =	por !p3, p1  }
0xb6: {  	[sflag:s0] =	ssyncadd.s32 @!p1 $0xFFFFFFFF;
	v2 =	vimm.s32 @!p2 $0xFFFFFFFF;
	s3 =	simm.s32 @p3 $0xF  }
0xb7: {  	[tilespmem:$0x80] =	vst @!p2 v2;
	s2 =	sadd.s32 @!p1 $0x90, s3  }
0xb8: {  	[spmem:s4] =	stream.linear.scatter @!p1 [tilespmem:s2], [sflag:$0x1], $0x1, $0x38;
	[tilespmem:$0x11A60] =	vst v63  }
0xb9: {  	_ =	swait.ge @!p1 [sflag:s0], $0x1  }
0xba: {  	[sflag:s0] =	ssyncset.done @!p1 $0x0  }
0xbb: {  	s2 =	simm.s32 @!p1 $0x80;
	[sflag:s0] =	ssyncadd.s32 @!p1 $0xFFFFFFFF  }
0xbc: {  	[spmem:s13] =	stream.linear.scatter @!p1 [tilespmem:s2], [sflag:$0x1], $0x1, $0x38;
	[tilespmem:$0x11A60] =	vst v63  }
0xbd: {  	_ =	swait.ge @!p1 [sflag:s0], $0x1  }
0xbe: {  	[sflag:s0] =	ssyncset.done @!p1 $0x0  }
0xbf: {  	[sflag:s0] =	ssyncadd.s32 @!p1 $0xFFFFFFFF;
	(ifvalue) =	ssetifvalue $0xFFFFFFFF;
	v2 =	vld [tilespmem:s25+$0x10];
	_ =	sdelay $0x3  }
.Ltmp6:
0xc0: {  	_ = 	snop;
	(pc) =	sbr.rel .LBB2_9-.Ltmp6, $3  }
0xc1: {  	_ =	sdelay $0x1  }
0xc2: {  	(ifvalue) =	ssetifvalue $0xFFFFFFFF  }
0xc3: {  	[hbm4b:s1+s16] =	stream.indirect_vreg.scatter [tilespmem:s26], [sflag:$0x9], $0x1, v2, vm0, $0x4038;
	[tilespmem:$0x11A60] =	vst v63  }
.LBB2_10:
0xc4: {  	_ =	sfence.sel $0x180000  }
0xc5: {  	s0 =	simm.s32 $0x7;
	[bflag:$0x0] =	sbarrier.arrive $0xFFFF  }
0xc6: {  	s26 =	simm.s32 $0x8;
	[sflag:s0] =	ssyncpa.u1 $0x1  }
0xc7: {  	s28 =	simm.s32 $0x9;
	[sflag:s26] =	ssyncpa.u1 $0x1  }
0xc8: {  	[sflag:s28] =	ssyncpa.u1 $0x1  }
0xc9: {  	_ =	sfence.stream.spmem  }
0xca: {  	s29 =	simm.s32 $0x3;
	[bflag:$0x0] =	sbarrier.arrive $0xFFFF  }
0xcb: {  	s30 =	simm.s32 $0x4;
	[sflag:s29] =	ssyncpa.u1 $0x1  }
0xcc: {  	s31 =	simm.s32 $0x3C;
	s2 =	stileid.u32;
	[sflag:s30] =	ssyncpa.u1 $0x1  }
0xcd: {  	p0 =	sne.s32 s2, $0x0;
	[sflag:s31] =	ssyncpa.u1 $0x1  }
0xce: {  	s0 =	simm.s32 @p0 $0x1;
	_ =	sfence @p0  }
0xcf: {  	[sflag:s0] =	ssyncpa.u1 @p0 $0x1;
	s0 =	simm.s32 @p0 $0x2  }
0xd0: {  	[sflag:s0] =	ssyncpa.u1 @p0 $0x1  }
0xd1: {  	_ =	strace @p0 $0x90000047  }
0xd2: {  	[bflag:$0x2] =	sbarrier.arrive @p0 $0xFFFF  }
0xd3: {  	_ =	shalt @p0  }
.LBB2_11:
0xd4: {  	_ =	sfence.stream.spmem;
	s0 =	simm.s32 $0x5  }
0xd5: {  	s2 =	simm.s32 $0x80;
	s3 =	simm.s32 $0xC0;
	[sflag:s0] =	ssyncpa.u1 $0x0  }
0xd6: {  	[tilespmem:s3], [sflag:$0x5] =	stream.linear.gather [spmem:s2], $0x20, $0x38;
	[tilespmem:$0x11A60] =	vst v63  }
0xd7: {  	s2 =	simm.s32 $0x0;
	s3 =	simm.s32 $0xE0  }
0xd8: {  	[tilespmem:s3], [sflag:$0x5] =	stream.linear.gather [spmem:s2], $0x20, $0x38;
	[tilespmem:$0x11A60] =	vst v63  }
.Ltmp7:
0xd9: {  	_ = 	snop;
	(pc) =	sbr.rel .LBB2_12-.Ltmp7, $4  }
0xda: {  	_ =	swait.ge [sflag:s0], $0x40  }
0xdb: {  	[sflag:s0] =	ssyncset.done $0x0  }
0xdc: {  	s31 =	simm.s32 $0x6;
	[sflag:s0] =	ssyncadd.s32 $0xFFFFFFC0  }
0xdd: {  	s4 =	simm.s32 $0x0;
	[sflag:s31] =	ssyncpa.u1 $0x0  }
.LBB2_17:
0xde: {  	p0 =	sgt.u32 s5, $0x63FFFFF  }
0xdf: {  	s0 =	sshrl.u32 @!p0 s5, $0x3  }
0xe0: {  	s5 =	sand.u32 @!p0 $0x7, s5;
	s6 =	simm.s32 @!p0 $0xB0;
	s0 =	sadd.s32 @!p0 s1, s0  }
0xe1: {  	[tilespmem:s6], [sflag:$0x6] =	stream.linear.gather @!p0 [hbm4b:s0+s5], $0x1, $0x38;
	[tilespmem:$0x11A60] =	vst v63  }
0xe2: {  	s0 =	simm.s32 @!p0 $0x6  }
0xe3: {  	_ =	swait.ge @!p0 [sflag:s0], $0x1  }
0xe4: {  	[sflag:s0] =	ssyncset.done @!p0 $0x0  }
0xe5: {  	[sflag:s0] =	ssyncadd.s32 @!p0 $0xFFFFFFFF  }
0xe6: {  	v2 =	vmov @!p0 s4;
	v1 =	vld.msk @!p0 [tilespmem:$0xB0], $0x1;
	_ =	sdelay $0x3  }
0xe7: {  	s0 =	simm.s32 @!p0 $0xE0  }
0xe8: {  	[tilespmem:v2+s0+$0x0], v1 =	vst.idx.ret.add.s32.msk @!p0 $0x1, v1  }
0xe9: {  	[tilespmem:s2+$0xC0] =	vst.msk $0x1, v0  }
0xea: {  	v0 =	vld.msk [tilespmem:s4+$0xE0], $0x1;
	_ =	sdelay $0x4  }
0xeb: {  	[tilespmem:s2+$0xE0] =	vst.msk $0x1, v0;
	s2 =	sadd.s32 $0x1, s2  }
.LBB2_19:
0xec: {  	s4 =	sadd.s32 $0x1, s4  }
0xed: {  	p0 =	sne.s32 s4, $0x20  }
.Ltmp8:
0xee: {  	_ = 	snop;
	(pc) =	sbr.rel @!p0 .LBB2_20-.Ltmp8, $1  }
0xef: {  	_ =	sdelay $0x3  }
.LBB2_12:
0xf0: {  	v0 =	vld.msk [tilespmem:s4+$0xC0], $0x1;
	_ =	sdelay $0x4  }
0xf1: {  	(v2sf) =	vpush v0, $0x0;
	_ =	sdelay $0xe  }
0xf2: {  	s5 =	spop (v2sf)  }
0xf3: {  	p0 =	seq.s32 s5, $0xFFFFFFFF  }
.Ltmp9:
0xf4: {  	_ = 	snop;
	(pc) =	sbr.rel @p0 .LBB2_19-.Ltmp9, $1  }
0xf5: {  	_ =	sdelay $0x3  }
0xf6: {  	p0 =	slt.s32 s2, $0x1  }
.Ltmp10:
0xf7: {  	_ = 	snop;
	(pc) =	sbr.rel @p0 .LBB2_17-.Ltmp10, $1  }
0xf8: {  	_ =	sdelay $0x3  }
0xf9: {  	s0 =	simm.s32 $0xC0;
	p0 =	por $0x0, $0x0  }
0xfa: {  	v1 =	vld.msk @!p0 [tilespmem:s0+$0x0], $0x1;
	_ =	sdelay $0x4  }
0xfb: {  	(v2sf) =	vpush @!p0 v1, $0x0;
	_ =	sdelay $0xd  }
0xfc: {  	p2 =	sne.s32 s2, $0x1  }
.Ltmp11:
0xfd: {  	s6 =	spop @!p0 (v2sf);
	(pc) =	sbr.rel @!p2 .LBB2_16-.Ltmp11, $4  }
0xfe: {  	p1 =	seq.s32 @!p0 s5, s6  }
0xff: {  	s6 =	simm.s32 $0x0;
	p1 =	por !p1, p0  }
0x100: {  	s8 =	simm.s32 $0xFFFFFFFF;
	s6 =	simm.s32 @p1 $0xFFFFFFFF  }
0x101: {  	s7 =	simm.s32 $0x1;
	s6 =	smov.u32 @p0 s8  }
.LBB2_15:
0x102: {  	s8 =	smov.u32 s6;
	p0 =	sne.s32 s6, $0xFFFFFFFF  }
0x103: {  	s0 =	sadd.s32 $0x1, s0;
	s6 =	smov.u32 s7;
	s7 =	sadd.s32 $0x1, s7  }
0x104: {  	p1 =	sne.s32 s2, s7;
	v1 =	vld.msk @!p0 [tilespmem:s0+$0x0], $0x1;
	_ =	sdelay $0x4  }
0x105: {  	(v2sf) =	vpush @!p0 v1, $0x0;
	_ =	sdelay $0xe  }
.Ltmp12:
0x106: {  	s9 =	spop @!p0 (v2sf);
	(pc) =	sbr.rel @p1 .LBB2_15-.Ltmp12, $4  }
0x107: {  	p2 =	seq.s32 @!p0 s5, s9  }
0x108: {  	p2 =	por !p2, p0  }
0x109: {  	s6 =	simm.s32 @p2 $0xFFFFFFFF  }
0x10a: {  	s6 =	smov.u32 @p0 s8  }
.LBB2_16:
0x10b: {  	p0 =	sne.s32 s6, $0xFFFFFFFF  }
.Ltmp13:
0x10c: {  	_ = 	snop;
	(pc) =	sbr.rel @!p0 .LBB2_17-.Ltmp13, $1  }
0x10d: {  	_ =	sdelay $0x3  }
0x10e: {  	v0 =	vld.msk [tilespmem:s4+$0xE0], $0x1;
	v1 =	vmov s6  }
.Ltmp14:
0x10f: {  	_ = 	snop;
	(pc) =	sbr.rel .LBB2_19-.Ltmp14, $2  }
0x110: {  	_ =	sdelay $0x2  }
0x111: {  	[tilespmem:v1+s3+$0x0], v0 =	vst.idx.ret.add.s32.msk $0x1, v0  }
.LBB2_20:
0x112: {  	p0 =	slt.s32 s2, $0x1  }
.Ltmp15:
0x113: {  	_ = 	snop;
	(pc) =	sbr.rel @p0 .LBB2_24-.Ltmp15, $3  }
0x114: {  	_ =	sdelay $0x1  }
0x115: {  	s0 =	simm.s32 $0x6  }
0x116: {  	s3 =	simm.s32 $0x0;
	[sflag:s0] =	ssyncpa.u1 $0x1  }
0x117: {  	s0 =	simm.s32 $0xC0  }
0x118: {  	v0 =	vld.msk [tilespmem:s0+$0x0], $0x1;
	_ =	sdelay $0x4  }
0x119: {  	(v2sf) =	vpush v0, $0x0;
	_ =	sdelay $0xe  }
0x11a: {  	s2 =	sadd.s32 $0xFFFFFFFF, s2;
	s4 =	spop (v2sf)  }
0x11b: {  	p1 =	sne.s32 s2, $0x0;
	p0 =	sgt.u32 s4, $0x63FFFFF  }
.Ltmp16:
0x11c: {  	s5 =	sshrl.u32 @!p0 s4, $0x3;
	(pc) =	sbr.rel @!p1 .LBB2_23-.Ltmp16, $4  }
0x11d: {  	s0 =	simm.s32 $0xE0;
	s4 =	sand.u32 @!p0 $0x7, s4;
	s5 =	sadd.s32 @!p0 s1, s5  }
0x11e: {  	[hbm4b:s5+s4] =	stream.linear.scatter @!p0 [tilespmem:s0], [sflag:$0x5], $0x1, $0x38;
	[tilespmem:$0x11A60] =	vst v63  }
0x11f: {  	s5 =	simm.s32 $0x0  }
0x120: {  	s4 =	simm.s32 $0xC1;
	s5 =	simm.s32 @!p0 $0x4  }
.LBB2_22:
0x121: {  	v0 =	vld.msk [tilespmem:s4+$0x0], $0x1;
	s2 =	sadd.s32 $0xFFFFFFFF, s2;
	s3 =	sadd.s32 s3, s5  }
0x122: {  	p0 =	sne.s32 s2, $0x0;
	_ =	sdelay $0x3  }
0x123: {  	(v2sf) =	vpush v0, $0x0;
	_ =	sdelay $0xe  }
.Ltmp17:
0x124: {  	s6 =	spop (v2sf);
	(pc) =	sbr.rel @p0 .LBB2_22-.Ltmp17, $4  }
0x125: {  	s5 =	simm.s32 $0x0;
	p1 =	sgt.u32 s6, $0x63FFFFF  }
0x126: {  	s0 =	sadd.s32 $0x1, s0;
	s5 =	simm.s32 @!p1 $0x4;
	s7 =	sshrl.u32 @!p1 s6, $0x3  }
0x127: {  	s4 =	sadd.s32 $0x1, s4;
	s6 =	sand.u32 @!p1 $0x7, s6;
	s7 =	sadd.s32 @!p1 s1, s7  }
0x128: {  	[hbm4b:s7+s6] =	stream.linear.scatter @!p1 [tilespmem:s0], [sflag:$0x5], $0x1, $0x38;
	[tilespmem:$0x11A60] =	vst v63  }
.LBB2_23:
0x129: {  	s0 =	sadd.s32 s3, s5  }
0x12a: {  	s3 =	sshrl.u32 s0, $0x2  }
.LBB2_24:
0x12b: {  	s0 =	simm.s32 $0x5  }
0x12c: {  	_ =	swait.ge [sflag:s0], s3  }
0x12d: {  	s1 =	ssub.s32 $0x0, s3;
	[sflag:s0] =	ssyncset.done $0x0  }
0x12e: {  	[sflag:s0] =	ssyncadd.s32 s1  }
0x12f: {  	[sflag:s0] =	ssyncpa.u1 $0x1  }
0x130: {  	s29 =	simm.s32 $0x1;
	_ =	sfence  }
0x131: {  	s30 =	simm.s32 $0x2;
	[sflag:s29] =	ssyncpa.u1 $0x1  }
0x132: {  	[sflag:s30] =	ssyncpa.u1 $0x1  }
0x133: {  	_ =	strace $0x90000047  }
0x134: {  	[bflag:$0x2] =	sbarrier.arrive $0xFFFF  }
0x135: {  	s31 =	rddreg [dreg:$0x2]  }
0x136: {  	s0 =	sadd.s32 $0x100000, s31  }
0x137: {  	[sflag:s0] =	ssyncadd.tile.s32 $0x1;
	_ =	shalt  }
.Lfunc_end2:
_tile_overlayer_lowered:
.L_overlay_start_2:
0x138: {  	(tag) =	ssettag $0x2  }
0x139: {  	s0 =	rddreg [dreg:$0x0];
	s2 =	stileid.u32  }
0x13a: {  	s1 =	rddreg [dreg:$0x1];
	p0 =	sne.s32 s2, $0x0  }
0x13b: {  	s3 =	rddreg [dreg:$0x2];
	[bflag:$0x3] =	sbarrier.arrive $0xFFFF;
	s2 =	simm.s32 @!p0 $0x1C01  }
0x13c: {  	[timem:s3], [sflag:s2] =	dma.local @!p0 [hbm:s0], s1  }
0x13d: {  	s0 =	simm.s32 @!p0 $0x1  }
0x13e: {  	_ =	swait.ge @!p0 [sflag:s0], s1  }
0x13f: {  	s1 =	ssub.s32 @!p0 $0x0, s1;
	[sflag:s0] =	ssyncset.done @!p0 $0x0  }
0x140: {  	[sflag:s0] =	ssyncadd.s32 @!p0 s1  }
0x141: {  	[bflag:$0x3] =	sbarrier.arrive $0xFFFF  }
0x142: {  	_ =	shalt  }

</sc_bundles>
